<compile_context>
chip_gen: v7x
topology: tpu7x:2x2x1
jax: 0.10.2.dev20260603
libtpu: 0.0.44.dev20260713+nightly
codegen_flags: <defaults>
</compile_context>

<pallas_src>
import functools

import jax
import jax.numpy as jnp
from jax import lax
from jax.experimental import pallas as pl
from jax.experimental.pallas import tpu as pltpu
from jax.experimental.pallas import tpu_sc as plsc

N = 10000
E = 320000
F = 128
H = 128

NC = 2
NS = 16
NW = NC * NS

C = 128
CHUNKS_PER_TILE = 79
E_PAD = CHUNKS_PER_TILE * NW * C
N_PAD = 10240
ROWS_PER_TILE = N_PAD // NS


def _scale_body(mask_ref, h_ref, hm_ref, mv_ref):
    m = mask_ref[...]
    mx = jnp.max(m)
    e = jnp.exp(m - mx)
    mv = e * (1.0 / jnp.sum(e))
    mv_ref[...] = mv
    hm_ref[...] = h_ref[...] * mv


_scale = pl.pallas_call(
    _scale_body,
    out_shape=(
        jax.ShapeDtypeStruct((N, F), jnp.float32),
        jax.ShapeDtypeStruct((N, 1), jnp.float32),
    ),
)


def _sc_body(hm_hbm, src_hbm, dst_hbm, zrows_hbm, zdeg_hbm,
             agg_out, deg_out,
             srcv, dstv, rows, ones, aggs, degs, sem):
    cid = lax.axis_index("c")
    sid = lax.axis_index("s")
    wid = sid * NC + cid

    r0 = sid * ROWS_PER_TILE
    pltpu.sync_copy(zrows_hbm.at[pl.ds(r0, ROWS_PER_TILE)],
                    aggs.at[pl.ds(r0, ROWS_PER_TILE)])
    pltpu.sync_copy(zdeg_hbm.at[pl.ds(r0, ROWS_PER_TILE)],
                    degs.at[pl.ds(r0, ROWS_PER_TILE)])

    def fill_ones(i, _):
        ones[pl.ds(i * 16, 16)] = jnp.ones((16,), jnp.float32)
        return 0
    lax.fori_loop(0, C // 16, fill_ones, 0)

    plsc.subcore_barrier()

    base = wid * CHUNKS_PER_TILE

    def step(i, _):
        row = base + i
        pltpu.sync_copy(src_hbm.at[row], srcv)
        pltpu.sync_copy(dst_hbm.at[row], dstv)
        pltpu.async_copy(hm_hbm.at[srcv], rows, sem).wait()
        pltpu.sync_copy(rows, aggs.at[dstv], add=True)
        pltpu.sync_copy(ones, degs.at[dstv], add=True)
        return 0

    lax.fori_loop(0, CHUNKS_PER_TILE, step, 0)

    plsc.subcore_barrier()

    pltpu.sync_copy(aggs.at[pl.ds(r0, ROWS_PER_TILE)],
                    agg_out.at[cid, pl.ds(r0, ROWS_PER_TILE)])
    pltpu.sync_copy(degs.at[pl.ds(r0, ROWS_PER_TILE)],
                    deg_out.at[pl.ds(cid * N_PAD + r0, ROWS_PER_TILE)])


_sc_agg = functools.partial(
    pl.kernel,
    out_type=(
        jax.ShapeDtypeStruct((NC, N_PAD, F), jnp.float32),
        jax.ShapeDtypeStruct((NC * N_PAD,), jnp.float32),
    ),
    mesh=plsc.VectorSubcoreMesh(core_axis_name="c", subcore_axis_name="s"),
    scratch_types=[
        pltpu.VMEM((C,), jnp.int32),
        pltpu.VMEM((C,), jnp.int32),
        pltpu.VMEM((C, F), jnp.float32),
        pltpu.VMEM((C,), jnp.float32),
        pltpu.VMEM_SHARED((N_PAD, F), jnp.float32),
        pltpu.VMEM_SHARED((N_PAD,), jnp.float32),
        pltpu.SemaphoreType.DMA,
    ],
)(_sc_body)


def _finish_body(agg_ref, deg_ref, w_ref, b_ref, out_ref):
    a = agg_ref[0, :N, :] + agg_ref[1, :N, :]
    d = deg_ref[0, :N, :] + deg_ref[1, :N, :]
    d = jnp.maximum(d, 1.0)
    out_ref[...] = (
        jnp.dot(a / d, w_ref[...], preferred_element_type=jnp.float32)
        + b_ref[...]
    )


_finish = pl.pallas_call(
    _finish_body,
    out_shape=jax.ShapeDtypeStruct((N, H), jnp.float32),
)


@jax.jit
def kernel(h, edge_index, mask, W, b):
    src = edge_index[0].astype(jnp.int32)
    dst = edge_index[1].astype(jnp.int32)
    pad = E_PAD - E
    src = jnp.concatenate([src, jnp.zeros((pad,), jnp.int32)])
    dst = jnp.concatenate([dst, jnp.full((pad,), N, jnp.int32)])
    src2 = src.reshape(E_PAD // C, C)
    dst2 = dst.reshape(E_PAD // C, C)

    hm, mv = _scale(mask.reshape(N, 1), h)

    zrows = jnp.zeros((N_PAD, F), jnp.float32)
    zdeg = jnp.zeros((N_PAD,), jnp.float32)
    agg_p, deg_p = _sc_agg(hm, src2, dst2, zrows, zdeg)

    out = _finish(agg_p, deg_p.reshape(NC, N_PAD, 1), W, b.reshape(1, H))
    return (out, mv.reshape(N))

# --- scband reference (transcript-rebuilt; emitter-appended) ---
"""Pipeline reference for scband-masked-gcn-1709396984513 (READ-ONLY COPY).

The authoritative reference and input builder live on the scoring server;
editing this copy changes nothing except your own understanding.
"""

import jax, jax.numpy as jnp
import numpy as np

N_NODES = 10000
N_EDGES = 320000
IN_FEAT = 128
H_FEAT = 128


def setup_inputs(seed: int = 0) -> dict:
    key = jax.random.key(seed)
    k1, k2, k3, k4 = jax.random.split(key, 4)
    h = jax.random.normal(k1, (N_NODES, IN_FEAT), dtype=jnp.float32)
    edge_index = jax.random.randint(k2, (2, N_EDGES), 0, N_NODES, dtype=jnp.int64)
    # learned parameters
    mask = jnp.ones((N_NODES,), dtype=jnp.float32)  # nn.Parameter(torch.ones(num_nodes))
    W = jax.random.normal(k3, (IN_FEAT, H_FEAT), dtype=jnp.float32) * (1.0 / np.sqrt(IN_FEAT))
    b = jnp.zeros((H_FEAT,), dtype=jnp.float32)
    return {"h": h, "edge_index": edge_index, "mask": mask, "W": W, "b": b}


def reference(h, edge_index, mask, W, b):
    # MaskedGCN.forward with mfg = full graph, srcdata[NID] = arange(N)
    src = edge_index[0]
    dst = edge_index[1]
    # mask_values = softmax over all src node mask entries
    mask_values = jax.nn.softmax(mask)
    hm = h * mask_values[:, None]
    # GraphConv(in_feat, h_feat, norm='right'): out = (D_in^{-1} A hm) W + b
    msg = jnp.take(hm, src, axis=0)
    agg = jax.ops.segment_sum(msg, dst, num_segments=N_NODES)
    deg = jax.ops.segment_sum(jnp.ones((N_EDGES,), dtype=jnp.float32), dst, num_segments=N_NODES)
    deg = jnp.maximum(deg, 1.0)
    out = (agg / deg[:, None]) @ W + b
    return (out, mask_values)

if __name__ == "__main__":
    import jax
    _d = setup_inputs()
    print(jax.jit(kernel)(*tuple(_d.values())))

</pallas_src>

<mosaic_0001>
#map = affine_map<(d0, d1) -> (0, 0)>
#map1 = affine_map<(d0, d1) -> (0)>
#map2 = affine_map<(d0, d1) -> (0, 0, 0)>
module attributes {stable_mosaic.version = 14 : i64} {
  func.func @_sc_body(%arg0: i32, %arg1: i32, %arg2: memref<10000x128xf32, #tpu.memory_space<hbm>>, %arg3: memref<2528x128xi32, #tpu.memory_space<hbm>>, %arg4: memref<2528x128xi32, #tpu.memory_space<hbm>>, %arg5: memref<10240x128xf32, #tpu.memory_space<hbm>>, %arg6: memref<10240xf32, #tpu.memory_space<hbm>>, %arg7: memref<2x10240x128xf32, #tpu.memory_space<hbm>>, %arg8: memref<20480xf32, #tpu.memory_space<hbm>>, %arg9: memref<128xi32, #tpu.memory_space<vmem>>, %arg10: memref<128xi32, #tpu.memory_space<vmem>>, %arg11: memref<128x128xf32, #tpu.memory_space<vmem>>, %arg12: memref<128xf32, #tpu.memory_space<vmem>>, %arg13: memref<10240x128xf32, #tpu.memory_space<vmem_shared>>, %arg14: memref<10240xf32, #tpu.memory_space<vmem_shared>>, %arg15: memref<!tpu.dma_semaphore, #tpu.memory_space<semaphore_mem>>) attributes {dimension_semantics = [#tpu.dimension_semantics<core_parallel>, #tpu.dimension_semantics<subcore_parallel>], iteration_bounds = array<i64: 2, 16>, scalar_prefetch = 0 : i64, scratch_operands = 7 : i64, tpu.core_type = #tpu.core_type<sc_vector_subcore>, window_params = [{transform_indices = #map}, {transform_indices = #map}, {transform_indices = #map}, {transform_indices = #map}, {transform_indices = #map1}, {transform_indices = #map2}, {transform_indices = #map1}]} {
    %mul3A = arith.constant 2 : i32
    %mul3A_0 = arith.muli %arg1, %mul3A : i32
    %add3A = arith.addi %mul3A_0, %arg0 : i32
    %mul3A_1 = arith.constant 640 : i32
    %mul3A_2 = arith.muli %arg1, %mul3A_1 : i32
    "tpu.region"() ({
      %run_scoped3A = tpu.sem_alloc : memref<!tpu.dma_semaphore, #tpu.memory_space<semaphore_mem>>
      %dma_start3A = arith.constant 0 : i32
      %dma_start3A_22 = tpu.memref_slice %arg13[%mul3A_2, %dma_start3A] : memref<10240x128xf32, #tpu.memory_space<vmem_shared>> -> memref<640x128xf32, #tpu.memory_space<vmem_shared>>
      %dma_start3A_23 = arith.constant 0 : i32
      %dma_start3A_24 = tpu.memref_slice %arg5[%mul3A_2, %dma_start3A_23] : memref<10240x128xf32, #tpu.memory_space<hbm>> -> memref<640x128xf32, #tpu.memory_space<hbm>>
      tpu.enqueue_dma source(%dma_start3A_24 : memref<640x128xf32, #tpu.memory_space<hbm>>) target(%dma_start3A_22 : memref<640x128xf32, #tpu.memory_space<vmem_shared>>) target_semaphore(%run_scoped3A : memref<!tpu.dma_semaphore, #tpu.memory_space<semaphore_mem>>)
      %dma_wait3A = arith.constant 0 : i32
      %dma_wait3A_25 = tpu.memref_slice %arg13[%mul3A_2, %dma_wait3A] : memref<10240x128xf32, #tpu.memory_space<vmem_shared>> -> memref<640x128xf32, #tpu.memory_space<vmem_shared>>
      %dma_wait3A_26 = arith.constant 0 : i32
      %dma_wait3A_27 = tpu.memref_slice %arg5[%mul3A_2, %dma_wait3A_26] : memref<10240x128xf32, #tpu.memory_space<hbm>> -> memref<640x128xf32, #tpu.memory_space<hbm>>
      tpu.wait_dma2 semaphore(%run_scoped3A : memref<!tpu.dma_semaphore, #tpu.memory_space<semaphore_mem>>) src(%dma_wait3A_27 : memref<640x128xf32, #tpu.memory_space<hbm>>) dst(%dma_wait3A_25 : memref<640x128xf32, #tpu.memory_space<vmem_shared>>)
      tpu.yield
    }) : () -> ()
    "tpu.region"() ({
      %run_scoped3A = tpu.sem_alloc : memref<!tpu.dma_semaphore, #tpu.memory_space<semaphore_mem>>
      %dma_start3A = tpu.memref_slice %arg14[%mul3A_2] : memref<10240xf32, #tpu.memory_space<vmem_shared>> -> memref<640xf32, #tpu.memory_space<vmem_shared>>
      %dma_start3A_22 = tpu.memref_slice %arg6[%mul3A_2] : memref<10240xf32, #tpu.memory_space<hbm>> -> memref<640xf32, #tpu.memory_space<hbm>>
      tpu.enqueue_dma source(%dma_start3A_22 : memref<640xf32, #tpu.memory_space<hbm>>) target(%dma_start3A : memref<640xf32, #tpu.memory_space<vmem_shared>>) target_semaphore(%run_scoped3A : memref<!tpu.dma_semaphore, #tpu.memory_space<semaphore_mem>>)
      %dma_wait3A = tpu.memref_slice %arg14[%mul3A_2] : memref<10240xf32, #tpu.memory_space<vmem_shared>> -> memref<640xf32, #tpu.memory_space<vmem_shared>>
      %dma_wait3A_23 = tpu.memref_slice %arg6[%mul3A_2] : memref<10240xf32, #tpu.memory_space<hbm>> -> memref<640xf32, #tpu.memory_space<hbm>>
      tpu.wait_dma2 semaphore(%run_scoped3A : memref<!tpu.dma_semaphore, #tpu.memory_space<semaphore_mem>>) src(%dma_wait3A_23 : memref<640xf32, #tpu.memory_space<hbm>>) dst(%dma_wait3A : memref<640xf32, #tpu.memory_space<vmem_shared>>)
      tpu.yield
    }) : () -> ()
    %scan3A = arith.constant 0 : i32
    %scan3A_3 = arith.constant 0 : i32
    %scan3A_4 = arith.constant 8 : i32
    %scan3A_5 = arith.addi %scan3A_3, %scan3A_4 : i32
    %scan3A_6 = arith.constant 1 : i32
    %scan3A_7 = scf.for %scan3A_22 = %scan3A_3 to %scan3A_5 step %scan3A_6 iter_args(%scan3A_23 = %scan3A) -> (i32)  : i32 {
      %broadcast_in_dim3A = arith.constant 1.000000e+00 : f32
      %broadcast_in_dim3A_24 = vector.broadcast %broadcast_in_dim3A : f32 to vector<16xf32>
      %mul3A_25 = arith.constant 16 : i32
      %mul3A_26 = arith.muli %scan3A_22, %mul3A_25 : i32
      %swap3A = arith.index_cast %mul3A_26 : i32 to index
      %swap3A_27 = tpu.vector_load %arg12[%swap3A] {strides = array<i32>} : memref<128xf32, #tpu.memory_space<vmem>>, vector<16xf32>,
      %swap3A_28 = vector.shape_cast %swap3A_27 : vector<16xf32> to vector<16xf32>
      %swap3A_29 = vector.shape_cast %broadcast_in_dim3A_24 : vector<16xf32> to vector<16xf32>
      tpu.vector_store %arg12[%swap3A], %swap3A_29 {strides = array<i32>} : memref<128xf32, #tpu.memory_space<vmem>>, vector<16xf32>,
      %scan3A_30 = arith.constant 0 : i32
      scf.yield %scan3A_30 : i32
    }
    %scan3A_8 = arith.constant 8 : i32
    %barrier3A = arith.constant 0 : index
    tpu.barrier barrier_id(%barrier3A)
    %mul3A_9 = arith.constant 79 : i32
    %mul3A_10 = arith.muli %add3A, %mul3A_9 : i32
    %scan3A_11 = arith.constant 0 : i32
    %scan3A_12 = arith.constant 0 : i32
    %scan3A_13 = arith.constant 79 : i32
    %scan3A_14 = arith.addi %scan3A_12, %scan3A_13 : i32
    %scan3A_15 = arith.constant 1 : i32
    %scan3A_16 = scf.for %scan3A_22 = %scan3A_12 to %scan3A_14 step %scan3A_15 iter_args(%scan3A_23 = %scan3A_11) -> (i32)  : i32 {
      %add3A_24 = arith.addi %mul3A_10, %scan3A_22 : i32
      "tpu.region"() ({
        %run_scoped3A = tpu.sem_alloc : memref<!tpu.dma_semaphore, #tpu.memory_space<semaphore_mem>>
        %dma_start3A_30 = arith.constant 0 : i32
        %dma_start3A_31 = tpu.memref_slice %arg3[%add3A_24, %dma_start3A_30] : memref<2528x128xi32, #tpu.memory_space<hbm>> -> memref<1x128xi32, #tpu.memory_space<hbm>>
        %dma_start3A_32 = tpu.memref_squeeze %dma_start3A_31 : memref<1x128xi32, #tpu.memory_space<hbm>> -> memref<128xi32, #tpu.memory_space<hbm>>
        %dma_start3A_33 = arith.constant 0 : i32
        %dma_start3A_34 = tpu.memref_slice %arg3[%add3A_24, %dma_start3A_33] : memref<2528x128xi32, #tpu.memory_space<hbm>> -> memref<1x128xi32, #tpu.memory_space<hbm>>
        %dma_start3A_35 = tpu.memref_squeeze %dma_start3A_34 : memref<1x128xi32, #tpu.memory_space<hbm>> -> memref<128xi32, #tpu.memory_space<hbm>>
        tpu.enqueue_dma source(%dma_start3A_35 : memref<128xi32, #tpu.memory_space<hbm>>) target(%arg9 : memref<128xi32, #tpu.memory_space<vmem>>) target_semaphore(%run_scoped3A : memref<!tpu.dma_semaphore, #tpu.memory_space<semaphore_mem>>)
        %dma_wait3A_36 = arith.constant 0 : i32
        %dma_wait3A_37 = tpu.memref_slice %arg3[%add3A_24, %dma_wait3A_36] : memref<2528x128xi32, #tpu.memory_space<hbm>> -> memref<1x128xi32, #tpu.memory_space<hbm>>
        %dma_wait3A_38 = tpu.memref_squeeze %dma_wait3A_37 : memref<1x128xi32, #tpu.memory_space<hbm>> -> memref<128xi32, #tpu.memory_space<hbm>>
        %dma_wait3A_39 = arith.constant 0 : i32
        %dma_wait3A_40 = tpu.memref_slice %arg3[%add3A_24, %dma_wait3A_39] : memref<2528x128xi32, #tpu.memory_space<hbm>> -> memref<1x128xi32, #tpu.memory_space<hbm>>
        %dma_wait3A_41 = tpu.memref_squeeze %dma_wait3A_40 : memref<1x128xi32, #tpu.memory_space<hbm>> -> memref<128xi32, #tpu.memory_space<hbm>>
        tpu.wait_dma2 semaphore(%run_scoped3A : memref<!tpu.dma_semaphore, #tpu.memory_space<semaphore_mem>>) src(%dma_wait3A_41 : memref<128xi32, #tpu.memory_space<hbm>>) dst(%arg9 : memref<128xi32, #tpu.memory_space<vmem>>)
        tpu.yield
      }) : () -> ()
      "tpu.region"() ({
        %run_scoped3A = tpu.sem_alloc : memref<!tpu.dma_semaphore, #tpu.memory_space<semaphore_mem>>
        %dma_start3A_30 = arith.constant 0 : i32
        %dma_start3A_31 = tpu.memref_slice %arg4[%add3A_24, %dma_start3A_30] : memref<2528x128xi32, #tpu.memory_space<hbm>> -> memref<1x128xi32, #tpu.memory_space<hbm>>
        %dma_start3A_32 = tpu.memref_squeeze %dma_start3A_31 : memref<1x128xi32, #tpu.memory_space<hbm>> -> memref<128xi32, #tpu.memory_space<hbm>>
        %dma_start3A_33 = arith.constant 0 : i32
        %dma_start3A_34 = tpu.memref_slice %arg4[%add3A_24, %dma_start3A_33] : memref<2528x128xi32, #tpu.memory_space<hbm>> -> memref<1x128xi32, #tpu.memory_space<hbm>>
        %dma_start3A_35 = tpu.memref_squeeze %dma_start3A_34 : memref<1x128xi32, #tpu.memory_space<hbm>> -> memref<128xi32, #tpu.memory_space<hbm>>
        tpu.enqueue_dma source(%dma_start3A_35 : memref<128xi32, #tpu.memory_space<hbm>>) target(%arg10 : memref<128xi32, #tpu.memory_space<vmem>>) target_semaphore(%run_scoped3A : memref<!tpu.dma_semaphore, #tpu.memory_space<semaphore_mem>>)
        %dma_wait3A_36 = arith.constant 0 : i32
        %dma_wait3A_37 = tpu.memref_slice %arg4[%add3A_24, %dma_wait3A_36] : memref<2528x128xi32, #tpu.memory_space<hbm>> -> memref<1x128xi32, #tpu.memory_space<hbm>>
        %dma_wait3A_38 = tpu.memref_squeeze %dma_wait3A_37 : memref<1x128xi32, #tpu.memory_space<hbm>> -> memref<128xi32, #tpu.memory_space<hbm>>
        %dma_wait3A_39 = arith.constant 0 : i32
        %dma_wait3A_40 = tpu.memref_slice %arg4[%add3A_24, %dma_wait3A_39] : memref<2528x128xi32, #tpu.memory_space<hbm>> -> memref<1x128xi32, #tpu.memory_space<hbm>>
        %dma_wait3A_41 = tpu.memref_squeeze %dma_wait3A_40 : memref<1x128xi32, #tpu.memory_space<hbm>> -> memref<128xi32, #tpu.memory_space<hbm>>
        tpu.wait_dma2 semaphore(%run_scoped3A : memref<!tpu.dma_semaphore, #tpu.memory_space<semaphore_mem>>) src(%dma_wait3A_41 : memref<128xi32, #tpu.memory_space<hbm>>) dst(%arg10 : memref<128xi32, #tpu.memory_space<vmem>>)
        tpu.yield
      }) : () -> ()
      %dma_start3A = arith.constant 0 : i32
      %dma_start3A_25 = arith.constant 0 : i32
      %dma_start3A_26 = tpu.memref_slice %arg2[%dma_start3A, %dma_start3A_25] : memref<10000x128xf32, #tpu.memory_space<hbm>> -> memref<10000x128xf32, #tpu.memory_space<hbm>>
      tpu.enqueue_indirect_dma source(%dma_start3A_26 : memref<10000x128xf32, #tpu.memory_space<hbm>>) target(%arg11 : memref<128x128xf32, #tpu.memory_space<vmem>>) offsets(%arg9 : memref<128xi32, #tpu.memory_space<vmem>>) semaphore(%arg15 : memref<!tpu.dma_semaphore, #tpu.memory_space<semaphore_mem>>)
      %dma_wait3A = arith.constant 0 : i32
      %dma_wait3A_27 = arith.constant 0 : i32
      %dma_wait3A_28 = tpu.memref_slice %arg2[%dma_wait3A, %dma_wait3A_27] : memref<10000x128xf32, #tpu.memory_space<hbm>> -> memref<10000x128xf32, #tpu.memory_space<hbm>>
      tpu.wait_indirect_dma semaphore(%arg15 : memref<!tpu.dma_semaphore, #tpu.memory_space<semaphore_mem>>) src(%dma_wait3A_28 : memref<10000x128xf32, #tpu.memory_space<hbm>>) dst(%arg11 : memref<128x128xf32, #tpu.memory_space<vmem>>)
      "tpu.region"() ({
        %run_scoped3A = tpu.sem_alloc : memref<!tpu.dma_semaphore, #tpu.memory_space<semaphore_mem>>
        %dma_start3A_30 = arith.constant 0 : i32
        %dma_start3A_31 = arith.constant 0 : i32
        %dma_start3A_32 = tpu.memref_slice %arg13[%dma_start3A_30, %dma_start3A_31] : memref<10240x128xf32, #tpu.memory_space<vmem_shared>> -> memref<10240x128xf32, #tpu.memory_space<vmem_shared>>
        tpu.enqueue_indirect_dma source(%arg11 : memref<128x128xf32, #tpu.memory_space<vmem>>) target(%dma_start3A_32 : memref<10240x128xf32, #tpu.memory_space<vmem_shared>>) offsets(%arg10 : memref<128xi32, #tpu.memory_space<vmem>>) semaphore(%run_scoped3A : memref<!tpu.dma_semaphore, #tpu.memory_space<semaphore_mem>>) {add = true}
        %dma_wait3A_33 = arith.constant 0 : i32
        %dma_wait3A_34 = arith.constant 0 : i32
        %dma_wait3A_35 = tpu.memref_slice %arg13[%dma_wait3A_33, %dma_wait3A_34] : memref<10240x128xf32, #tpu.memory_space<vmem_shared>> -> memref<10240x128xf32, #tpu.memory_space<vmem_shared>>
        tpu.wait_indirect_dma semaphore(%run_scoped3A : memref<!tpu.dma_semaphore, #tpu.memory_space<semaphore_mem>>) src(%arg11 : memref<128x128xf32, #tpu.memory_space<vmem>>) dst(%dma_wait3A_35 : memref<10240x128xf32, #tpu.memory_space<vmem_shared>>)
        tpu.yield
      }) : () -> ()
      "tpu.region"() ({
        %run_scoped3A = tpu.sem_alloc : memref<!tpu.dma_semaphore, #tpu.memory_space<semaphore_mem>>
        %dma_start3A_30 = arith.constant 0 : i32
        %dma_start3A_31 = tpu.memref_slice %arg14[%dma_start3A_30] : memref<10240xf32, #tpu.memory_space<vmem_shared>> -> memref<10240xf32, #tpu.memory_space<vmem_shared>>
        tpu.enqueue_indirect_dma source(%arg12 : memref<128xf32, #tpu.memory_space<vmem>>) target(%dma_start3A_31 : memref<10240xf32, #tpu.memory_space<vmem_shared>>) offsets(%arg10 : memref<128xi32, #tpu.memory_space<vmem>>) semaphore(%run_scoped3A : memref<!tpu.dma_semaphore, #tpu.memory_space<semaphore_mem>>) {add = true}
        %dma_wait3A_32 = arith.constant 0 : i32
        %dma_wait3A_33 = tpu.memref_slice %arg14[%dma_wait3A_32] : memref<10240xf32, #tpu.memory_space<vmem_shared>> -> memref<10240xf32, #tpu.memory_space<vmem_shared>>
        tpu.wait_indirect_dma semaphore(%run_scoped3A : memref<!tpu.dma_semaphore, #tpu.memory_space<semaphore_mem>>) src(%arg12 : memref<128xf32, #tpu.memory_space<vmem>>) dst(%dma_wait3A_33 : memref<10240xf32, #tpu.memory_space<vmem_shared>>)
        tpu.yield
      }) : () -> ()
      %scan3A_29 = arith.constant 0 : i32
      scf.yield %scan3A_29 : i32
    }
    %scan3A_17 = arith.constant 79 : i32
    %barrier3A_18 = arith.constant 0 : index
    tpu.barrier barrier_id(%barrier3A_18)
    "tpu.region"() ({
      %run_scoped3A = tpu.sem_alloc : memref<!tpu.dma_semaphore, #tpu.memory_space<semaphore_mem>>
      %dma_start3A = arith.constant 0 : i32
      %dma_start3A_22 = tpu.memref_slice %arg7[%arg0, %mul3A_2, %dma_start3A] : memref<2x10240x128xf32, #tpu.memory_space<hbm>> -> memref<1x640x128xf32, #tpu.memory_space<hbm>>
      %dma_start3A_23 = tpu.memref_squeeze %dma_start3A_22 : memref<1x640x128xf32, #tpu.memory_space<hbm>> -> memref<640x128xf32, #tpu.memory_space<hbm>>
      %dma_start3A_24 = arith.constant 0 : i32
      %dma_start3A_25 = tpu.memref_slice %arg13[%mul3A_2, %dma_start3A_24] : memref<10240x128xf32, #tpu.memory_space<vmem_shared>> -> memref<640x128xf32, #tpu.memory_space<vmem_shared>>
      tpu.enqueue_dma source(%dma_start3A_25 : memref<640x128xf32, #tpu.memory_space<vmem_shared>>) target(%dma_start3A_23 : memref<640x128xf32, #tpu.memory_space<hbm>>) target_semaphore(%run_scoped3A : memref<!tpu.dma_semaphore, #tpu.memory_space<semaphore_mem>>)
      %dma_wait3A = arith.constant 0 : i32
      %dma_wait3A_26 = tpu.memref_slice %arg7[%arg0, %mul3A_2, %dma_wait3A] : memref<2x10240x128xf32, #tpu.memory_space<hbm>> -> memref<1x640x128xf32, #tpu.memory_space<hbm>>
      %dma_wait3A_27 = tpu.memref_squeeze %dma_wait3A_26 : memref<1x640x128xf32, #tpu.memory_space<hbm>> -> memref<640x128xf32, #tpu.memory_space<hbm>>
      %dma_wait3A_28 = arith.constant 0 : i32
      %dma_wait3A_29 = tpu.memref_slice %arg13[%mul3A_2, %dma_wait3A_28] : memref<10240x128xf32, #tpu.memory_space<vmem_shared>> -> memref<640x128xf32, #tpu.memory_space<vmem_shared>>
      tpu.wait_dma2 semaphore(%run_scoped3A : memref<!tpu.dma_semaphore, #tpu.memory_space<semaphore_mem>>) src(%dma_wait3A_29 : memref<640x128xf32, #tpu.memory_space<vmem_shared>>) dst(%dma_wait3A_27 : memref<640x128xf32, #tpu.memory_space<hbm>>)
      tpu.yield
    }) : () -> ()
    %mul3A_19 = arith.constant 10240 : i32
    %mul3A_20 = arith.muli %arg0, %mul3A_19 : i32
    %add3A_21 = arith.addi %mul3A_20, %mul3A_2 : i32
    "tpu.region"() ({
      %run_scoped3A = tpu.sem_alloc : memref<!tpu.dma_semaphore, #tpu.memory_space<semaphore_mem>>
      %dma_start3A = tpu.memref_slice %arg8[%add3A_21] : memref<20480xf32, #tpu.memory_space<hbm>> -> memref<640xf32, #tpu.memory_space<hbm>>
      %dma_start3A_22 = tpu.memref_slice %arg14[%mul3A_2] : memref<10240xf32, #tpu.memory_space<vmem_shared>> -> memref<640xf32, #tpu.memory_space<vmem_shared>>
      tpu.enqueue_dma source(%dma_start3A_22 : memref<640xf32, #tpu.memory_space<vmem_shared>>) target(%dma_start3A : memref<640xf32, #tpu.memory_space<hbm>>) target_semaphore(%run_scoped3A : memref<!tpu.dma_semaphore, #tpu.memory_space<semaphore_mem>>)
      %dma_wait3A = tpu.memref_slice %arg8[%add3A_21] : memref<20480xf32, #tpu.memory_space<hbm>> -> memref<640xf32, #tpu.memory_space<hbm>>
      %dma_wait3A_23 = tpu.memref_slice %arg14[%mul3A_2] : memref<10240xf32, #tpu.memory_space<vmem_shared>> -> memref<640xf32, #tpu.memory_space<vmem_shared>>
      tpu.wait_dma2 semaphore(%run_scoped3A : memref<!tpu.dma_semaphore, #tpu.memory_space<semaphore_mem>>) src(%dma_wait3A_23 : memref<640xf32, #tpu.memory_space<vmem_shared>>) dst(%dma_wait3A : memref<640xf32, #tpu.memory_space<hbm>>)
      tpu.yield
    }) : () -> ()
    return
  }
}

module attributes {stable_mosaic.version = 14 : i64} {
  func.func @_scale_body(%arg0: memref<10000x1xf32, #tpu.memory_space<vmem>>, %arg1: memref<10000x128xf32, #tpu.memory_space<vmem>>, %arg2: memref<10000x128xf32, #tpu.memory_space<vmem>>, %arg3: memref<10000x1xf32, #tpu.memory_space<vmem>>) attributes {dimension_semantics = [], scalar_prefetch = 0 : i64, scratch_operands = 0 : i64, tpu.core_type = #tpu.core_type<tc>} {
    %get3A = arith.constant 0 : index
    %get3A_0 = arith.constant 0 : index
    %get3A_1 = vector.load %arg0[%get3A, %get3A_0] : memref<10000x1xf32, #tpu.memory_space<vmem>>, vector<10000x1xf32>
    %reduce_max3A = vector.shape_cast %get3A_1 : vector<10000x1xf32> to vector<1x10000x1xf32>
    %reduce_max3A_2 = arith.constant dense<0xFF800000> : vector<1xf32>
    %reduce_max3A_3 = vector.multi_reduction <maximumf>, %reduce_max3A, %reduce_max3A_2 [1, 2] : vector<1x10000x1xf32> to vector<1xf32>
    %reduce_max3A_4 = vector.shape_cast %reduce_max3A_3 : vector<1xf32> to vector<1x1x1xf32>
    %reduce_max3A_5 = vector.extract %reduce_max3A_4[0, 0, 0] : f32 from vector<1x1x1xf32>
    %sub3A = vector.broadcast %reduce_max3A_5 : f32 to vector<10000x1xf32>
    %sub3A_6 = arith.subf %get3A_1, %sub3A : vector<10000x1xf32>
    %exp3A = math.exp %sub3A_6 : vector<10000x1xf32>
    %reduce_sum3A = vector.shape_cast %exp3A : vector<10000x1xf32> to vector<1x10000x1xf32>
    %reduce_sum3A_7 = arith.constant dense<0.000000e+00> : vector<1xf32>
    %reduce_sum3A_8 = vector.multi_reduction <add>, %reduce_sum3A, %reduce_sum3A_7 [1, 2] : vector<1x10000x1xf32> to vector<1xf32>
    %reduce_sum3A_9 = vector.shape_cast %reduce_sum3A_8 : vector<1xf32> to vector<1x1x1xf32>
    %reduce_sum3A_10 = vector.extract %reduce_sum3A_9[0, 0, 0] : f32 from vector<1x1x1xf32>
    %div3A = arith.constant 1.000000e+00 : f32
    %div3A_11 = arith.divf %div3A, %reduce_sum3A_10 : f32
    %mul3A = vector.broadcast %div3A_11 : f32 to vector<10000x1xf32>
    %mul3A_12 = arith.mulf %exp3A, %mul3A : vector<10000x1xf32>
    %swap3A = arith.constant 0 : index
    %swap3A_13 = arith.constant 0 : index
    %swap3A_14 = vector.load %arg3[%swap3A, %swap3A_13] : memref<10000x1xf32, #tpu.memory_space<vmem>>, vector<10000x1xf32>
    tpu.vector_store %arg3[%swap3A, %swap3A_13], %mul3A_12 {strides = array<i32>} : memref<10000x1xf32, #tpu.memory_space<vmem>>, vector<10000x1xf32>,
    %get3A_15 = arith.constant 0 : index
    %get3A_16 = arith.constant 0 : index
    %get3A_17 = vector.load %arg1[%get3A_15, %get3A_16] : memref<10000x128xf32, #tpu.memory_space<vmem>>, vector<10000x128xf32>
    %mul3A_18 = vector.broadcast %mul3A_12 : vector<10000x1xf32> to vector<10000x128xf32>
    %mul3A_19 = arith.mulf %get3A_17, %mul3A_18 : vector<10000x128xf32>
    %swap3A_20 = arith.constant 0 : index
    %swap3A_21 = arith.constant 0 : index
    %swap3A_22 = vector.load %arg2[%swap3A_20, %swap3A_21] : memref<10000x128xf32, #tpu.memory_space<vmem>>, vector<10000x128xf32>
    tpu.vector_store %arg2[%swap3A_20, %swap3A_21], %mul3A_19 {strides = array<i32>} : memref<10000x128xf32, #tpu.memory_space<vmem>>, vector<10000x128xf32>,
    return
  }
}

module attributes {stable_mosaic.version = 14 : i64} {
  func.func @_finish_body(%arg0: memref<2x10240x128xf32, #tpu.memory_space<vmem>>, %arg1: memref<2x10240x1xf32, #tpu.memory_space<vmem>>, %arg2: memref<128x128xf32, #tpu.memory_space<vmem>>, %arg3: memref<1x128xf32, #tpu.memory_space<vmem>>, %arg4: memref<10000x128xf32, #tpu.memory_space<vmem>>) attributes {dimension_semantics = [], scalar_prefetch = 0 : i64, scratch_operands = 0 : i64, tpu.core_type = #tpu.core_type<tc>} {
    %get3A = arith.constant 0 : index
    %get3A_0 = arith.constant 0 : index
    %get3A_1 = arith.constant 0 : index
    %get3A_2 = vector.load %arg0[%get3A, %get3A_0, %get3A_1] : memref<2x10240x128xf32, #tpu.memory_space<vmem>>, vector<1x10000x128xf32>
    %get3A_3 = vector.shape_cast %get3A_2 : vector<1x10000x128xf32> to vector<10000x128xf32>
    %get3A_4 = arith.constant 1 : index
    %get3A_5 = arith.constant 0 : index
    %get3A_6 = arith.constant 0 : index
    %get3A_7 = vector.load %arg0[%get3A_4, %get3A_5, %get3A_6] : memref<2x10240x128xf32, #tpu.memory_space<vmem>>, vector<1x10000x128xf32>
    %get3A_8 = vector.shape_cast %get3A_7 : vector<1x10000x128xf32> to vector<10000x128xf32>
    %add3A = arith.addf %get3A_3, %get3A_8 : vector<10000x128xf32>
    %get3A_9 = arith.constant 0 : index
    %get3A_10 = arith.constant 0 : index
    %get3A_11 = arith.constant 0 : index
    %get3A_12 = vector.load %arg1[%get3A_9, %get3A_10, %get3A_11] : memref<2x10240x1xf32, #tpu.memory_space<vmem>>, vector<1x10000x1xf32>
    %get3A_13 = vector.shape_cast %get3A_12 : vector<1x10000x1xf32> to vector<10000x1xf32>
    %get3A_14 = arith.constant 1 : index
    %get3A_15 = arith.constant 0 : index
    %get3A_16 = arith.constant 0 : index
    %get3A_17 = vector.load %arg1[%get3A_14, %get3A_15, %get3A_16] : memref<2x10240x1xf32, #tpu.memory_space<vmem>>, vector<1x10000x1xf32>
    %get3A_18 = vector.shape_cast %get3A_17 : vector<1x10000x1xf32> to vector<10000x1xf32>
    %add3A_19 = arith.addf %get3A_13, %get3A_18 : vector<10000x1xf32>
    %max3A = arith.constant 1.000000e+00 : f32
    %max3A_20 = vector.broadcast %max3A : f32 to vector<10000x1xf32>
    %max3A_21 = arith.maximumf %add3A_19, %max3A_20 : vector<10000x1xf32>
    %div3A = vector.broadcast %max3A_21 : vector<10000x1xf32> to vector<10000x128xf32>
    %div3A_22 = arith.divf %add3A, %div3A : vector<10000x128xf32>
    %get3A_23 = arith.constant 0 : index
    %get3A_24 = arith.constant 0 : index
    %get3A_25 = vector.load %arg2[%get3A_23, %get3A_24] : memref<128x128xf32, #tpu.memory_space<vmem>>, vector<128x128xf32>
    %dot_general3A = arith.constant dense<0.000000e+00> : vector<10000x128xf32>
    %dot_general3A_26 = tpu.matmul %div3A_22, %get3A_25, %dot_general3A {dimension_numbers = #tpu.dot_dimension_numbers<[1], [0], [0], [1], [0, 0, 1, 1], [], []>, transpose_lhs_hint = false} : vector<10000x128xf32>, vector<128x128xf32>, vector<10000x128xf32> -> vector<10000x128xf32>
    %get3A_27 = arith.constant 0 : index
    %get3A_28 = arith.constant 0 : index
    %get3A_29 = vector.load %arg3[%get3A_27, %get3A_28] : memref<1x128xf32, #tpu.memory_space<vmem>>, vector<1x128xf32>
    %add3A_30 = vector.broadcast %get3A_29 : vector<1x128xf32> to vector<10000x128xf32>
    %add3A_31 = arith.addf %dot_general3A_26, %add3A_30 : vector<10000x128xf32>
    %swap3A = arith.constant 0 : index
    %swap3A_32 = arith.constant 0 : index
    %swap3A_33 = vector.load %arg4[%swap3A, %swap3A_32] : memref<10000x128xf32, #tpu.memory_space<vmem>>, vector<10000x128xf32>
    tpu.vector_store %arg4[%swap3A, %swap3A_32], %add3A_31 {strides = array<i32>} : memref<10000x128xf32, #tpu.memory_space<vmem>>, vector<10000x128xf32>,
    return
  }
}

</mosaic_0001>

<sc_bundles>
// kernel: kernel.5.cloned.1.call-start
scs
__scs_entry_jumppad:
0x0: {  	(pc) =	sbr.rel $0x88, $3  }
0x1: {  	(tag) =	ssettag $0x0;
	lr =	simm.s32 $0x1  }
0x2: {  	[smem:$0x3F9C] =	sst lr;
	_ =	strace $0xD0000000  }
0x3: {  	_ = 	snop  }
0x4: {  	_ = 	snop  }
0x5: {  	_ = 	snop  }
0x6: {  	_ = 	snop  }
0x7: {  	_ = 	snop  }
__scs_overlays_trampoline_lowered:
0x8: {  	[smem:$0x3FAB] =	sst s0  }
0x9: {  	[smem:$0x3FAC] =	sst s1  }
0xa: {  	[smem:$0x3FAD] =	sst s2  }
0xb: {  	[smem:$0x3FAE] =	sst s3  }
0xc: {  	[smem:$0x3FAF] =	sst s4  }
0xd: {  	[smem:$0x3FB0] =	sst s5  }
0xe: {  	[smem:$0x3FB1] =	sst s6  }
0xf: {  	[smem:$0x3FB2] =	sst s7  }
0x10: {  	[smem:$0x3FB3] =	sst s8  }
0x11: {  	[smem:$0x3FB4] =	sst s9;
	s0 =	simm.s32 @!p0 $0x0  }
0x12: {  	s1 =	sld [smem:$0x3F9A];
	s0 =	simm.s32 @p0 $0x1  }
0x13: {  	[smem:$0x3FB5] =	sst s0;
	s0 =	simm.s32 @!p1 $0x0  }
0x14: {  	s2 =	sld [smem:$0x3F99];
	s0 =	simm.s32 @p1 $0x1  }
0x15: {  	[smem:$0x3FB6] =	sst s0;
	s0 =	simm.s32 @!p2 $0x0  }
0x16: {  	s3 =	sld [smem:$0x3FDB];
	s0 =	simm.s32 @p2 $0x1  }
0x17: {  	s4 =	simm.s32 $0x1BF5;
	[smem:$0x3FB8] =	sst s0  }
0x18: {  	s0 =	sld [smem:$0x3F9B];
	_ =	swait.ge [sflag:s4], $0x0  }
0x19: {  	s7 =	sld [smem:$0x3F9C]  }
0x1a: {  	s8 =	sadd.s32 $0xFFFFE003, lr  }
0x1b: {  	s9 =	sadd.s32 $0xFFFFFEF7, lr;
	s5 =	simm.s32 $0xFFFFFFFF;
	p2 =	slt.u32 s8, $0xFFFFF086  }
0x1c: {  	p1 =	slt.u32 s9, $0xF7A;
	s5 =	simm.s32 @!p2 $0x0  }
0x1d: {  	s5 =	simm.s32 @p1 $0x1;
	p0 =	seq.s32 s7, s2  }
0x1e: {  	s7 =	smul.u32 @!p0 $0xF7A, s2;
	p2 =	seq.s32 @!p0 s5, $0x0  }
0x1f: {  	s9 =	smul.u32 $0xF7A, s1;
	s8 =	simm.s32 @!p0 $0x1BF5;
	p2 =	por !p2, p0  }
0x20: {  	[sflag:s8] =	ssyncset.s32 @!p0 $0xFFFFF086;
	s6 =	sadd.s32 @!p0 s3, s7;
	s7 =	simm.s32 @!p0 $0x108  }
0x21: {  	s3 =	sadd.s32 s3, s9;
	s6 =	sadd.s32 @!p0 $0x88, s6;
	s7 =	simm.s32 @p2 $0x1082  }
0x22: {  	[simem:s7], [sflag:s8] =	dma.local @!p0 [hbm:s6], $0xF7A  }
0x23: {  	s9 =	sor.u32 $0xD0000000, s2;
	s6 =	simm.s32 $0x108;
	_ =	swait.ge @!p0 [sflag:s8], $0x0  }
0x24: {  	s3 =	sadd.s32 $0x88, s3;
	s6 =	simm.s32 @!p1 $0x1082;
	[sflag:s4] =	ssyncset.s32 $0xFFFFF086  }
0x25: {  	[simem:s6], [sflag:s4] =	dma.local [hbm:s3], $0xF7A  }
0x26: {  	[smem:$0x3F9C] =	sst s1;
	(tag) =	ssettag s2;
	_ =	strace s9  }
0x27: {  	s1 =	sld [smem:$0x3FAC]  }
0x28: {  	s2 =	sld [smem:$0x3FAD]  }
0x29: {  	s4 =	sld [smem:$0x3FAF]  }
0x2a: {  	p0 =	seq.s32 s5, $0x0;
	s5 =	sld [smem:$0x3FB0]  }
0x2b: {  	s6 =	sld [smem:$0x3FB1]  }
0x2c: {  	s7 =	sld [smem:$0x3FB2]  }
0x2d: {  	s3 =	simm.s32 $0x108;
	s8 =	sld [smem:$0x3FB3]  }
0x2e: {  	s3 =	simm.s32 @!p0 $0x1082;
	s9 =	sld [smem:$0x3FB4]  }
0x2f: {  	lr =	sadd.s32 s0, s3;
	s0 =	sld [smem:$0x3FAB]  }
0x30: {  	s3 =	sld [smem:$0x3FAE]  }
0x31: {  	[smem:$0x3FB7] =	sst s10  }
0x32: {  	s10 =	sld [smem:$0x3FB5];
	_ =	sdelay $0x3  }
0x33: {  	p0 =	seq.s32 s10, $0x1;
	s10 =	sld [smem:$0x3FB7];
	_ =	sdelay $0x3  }
0x34: {  	[smem:$0x3FB7] =	sst s10  }
0x35: {  	s10 =	sld [smem:$0x3FB6];
	_ =	sdelay $0x3  }
0x36: {  	p1 =	seq.s32 s10, $0x1;
	s10 =	sld [smem:$0x3FB7];
	_ =	sdelay $0x3  }
0x37: {  	[smem:$0x3FB7] =	sst s10  }
0x38: {  	s10 =	sld [smem:$0x3FB8]  }
0x39: {  	_ = 	snop;
	(pc) =	sbr.ind lr, $3  }
0x3a: {  	_ = 	snop  }
0x3b: {  	_ = 	snop  }
0x3c: {  	p2 =	seq.s32 s10, $0x1;
	s10 =	sld [smem:$0x3FB7]  }
0x3d: {  	_ =	shalt  }
0x3e: {  	_ =	shalt  }
0x3f: {  	_ =	shalt  }
0x40: {  	_ =	shalt  }
0x41: {  	_ =	shalt  }
0x42: {  	_ =	shalt  }
0x43: {  	_ =	shalt  }
0x44: {  	_ =	shalt  }
0x45: {  	_ =	shalt  }
0x46: {  	_ =	shalt  }
0x47: {  	_ =	shalt  }
0x48: {  	_ =	shalt  }
0x49: {  	_ =	shalt  }
0x4a: {  	_ =	shalt  }
0x4b: {  	_ =	shalt  }
0x4c: {  	_ =	shalt  }
0x4d: {  	_ =	shalt  }
0x4e: {  	_ =	shalt  }
0x4f: {  	_ =	shalt  }
0x50: {  	_ =	shalt  }
0x51: {  	_ =	shalt  }
0x52: {  	_ =	shalt  }
0x53: {  	_ =	shalt  }
0x54: {  	_ =	shalt  }
0x55: {  	_ =	shalt  }
0x56: {  	_ =	shalt  }
0x57: {  	_ =	shalt  }
0x58: {  	_ =	shalt  }
0x59: {  	_ =	shalt  }
0x5a: {  	_ =	shalt  }
0x5b: {  	_ =	shalt  }
0x5c: {  	_ =	shalt  }
0x5d: {  	_ =	shalt  }
0x5e: {  	_ =	shalt  }
0x5f: {  	_ =	shalt  }
0x60: {  	_ =	shalt  }
0x61: {  	_ =	shalt  }
0x62: {  	_ =	shalt  }
0x63: {  	_ =	shalt  }
0x64: {  	_ =	shalt  }
0x65: {  	_ =	shalt  }
0x66: {  	_ =	shalt  }
0x67: {  	_ =	shalt  }
0x68: {  	_ =	shalt  }
0x69: {  	_ =	shalt  }
0x6a: {  	_ =	shalt  }
0x6b: {  	_ =	shalt  }
0x6c: {  	_ =	shalt  }
0x6d: {  	_ =	shalt  }
0x6e: {  	_ =	shalt  }
0x6f: {  	_ =	shalt  }
0x70: {  	_ =	shalt  }
0x71: {  	_ =	shalt  }
0x72: {  	_ =	shalt  }
0x73: {  	_ =	shalt  }
0x74: {  	_ =	shalt  }
0x75: {  	_ =	shalt  }
0x76: {  	_ =	shalt  }
0x77: {  	_ =	shalt  }
0x78: {  	_ =	shalt  }
0x79: {  	_ =	shalt  }
0x7a: {  	_ =	shalt  }
0x7b: {  	_ =	shalt  }
0x7c: {  	_ =	shalt  }
0x7d: {  	_ =	shalt  }
0x7e: {  	_ =	shalt  }
0x7f: {  	_ =	shalt  }
0x80: {  	_ =	shalt  }
0x81: {  	_ =	shalt  }
0x82: {  	_ =	shalt  }
0x83: {  	_ =	shalt  }
0x84: {  	_ =	shalt  }
0x85: {  	_ =	shalt  }
0x86: {  	_ =	shalt  }
0x87: {  	_ =	shalt  }
.Lfunc_end0:
.L_simem_size_0:
called_computation_lowered:
.L_overlay_start_0:
0x88: {  	s2 =	sld [smem:$0x3FD9]  }
0x89: {  	s3 =	sld [smem:$0x3FFE];
	_ =	sdelay $0x1  }
0x8a: {  	s1 =	srdreg.scid  }
0x8b: {  	s0 =	sand.u32 $0x1, s1  }
0x8c: {  	s14 =	sshll.u32 s0, $0xA;
	s2 =	sadd.s32 s3, s2  }
0x8d: {  	s2 =	sadd.s32 s2, s14  }
0x8e: {  	[smem:$0x3FC3] =	sst s2  }
0x8f: {  	_ = 	snop  }
0x90: {  	s2 =	sld [smem:$0x3FD0];
	_ =	sdelay $0x2  }
0x91: {  	s15 =	simm.s32 $0xA;
	s4 =	simm.s32 $0x10  }
0x92: {  	[smem:s4], [sflag:s15] =	dma.local [hbm:s2], $0x1  }
0x93: {  	_ =	swait.eq [sflag:s15], $0x1  }
0x94: {  	[sflag:s15] =	ssyncset.done $0x0  }
0x95: {  	[sflag:s15] =	ssyncadd.s32 $0xFFFFFFFF  }
0x96: {  	s16 =	sld [smem:$0x10];
	(tm) =	ssettm $0x1  }
0x97: {  	s17 =	sld [smem:$0x3FFB];
	_ =	sdelay $0x3  }
0x98: {  	_ =	strace s17  }
0x99: {  	s3 =	sld [smem:$0x3FFC];
	_ =	sdelay $0x3  }
0x9a: {  	_ =	strace s3  }
0x9b: {  	s3 =	sld [smem:$0x3FFD];
	_ =	sdelay $0x3  }
0x9c: {  	_ =	strace s3  }
0x9d: {  	_ =	strace $0x8FFFFFFF  }
0x9e: {  	s18 =	sld [smem:$0x3FDB];
	_ =	sdelay $0x1  }
0x9f: {  	s19 =	simm.s32 $_scs_section_size  }
0xa0: {  	s5 =	simm.s32 $_size__tile_overlayer_lowered;
	s6 =	simm.s32 $_tile_overlayer_lowered  }
0xa1: {  	s22 =	simm.s32 $0x1BFF;
	s21 =	sshll.u32 s6, $0x1;
	s3 =	sadd.s32 s19, s18  }
0xa2: {  	s7 =	simm.s32 $0x0;
	s20 =	sshll.u32 s5, $0x1;
	s5 =	sadd.s32 s21, s3  }
0xa3: {  	[timem:s7], [sflag:s22] =	dma.local [hbm:s5], s20  }
0xa4: {  	_ =	swait.ge [sflag:s22], s20  }
0xa5: {  	s4 =	ssub.s32 $0x0, s20;
	[sflag:s22] =	ssyncset.done $0x0  }
0xa6: {  	[sflag:s22] =	ssyncadd.s32 s4;
	_ =	sdelay $0x1  }
0xa7: {  	s23 =	simm.s32 $0x1B8B  }
0xa8: {  	_ =	swait.ge [sflag:s23], $0x1  }
0xa9: {  	[sflag:s23] =	ssyncset.done $0x0  }
0xaa: {  	s25 =	simm.s32 $0x1B8E;
	s24 =	sld [smem:$0x3FFE];
	[sflag:s23] =	ssyncadd.s32 $0xFFFFFFFF  }
0xab: {  	s26 =	simm.s32 $execute0_lowered;
	[smem:$0x3FD2] =	sst s25  }
0xac: {  	s5 =	sshll.u32 s26, $0x1;
	_ =	strace $0x80000046;
	[dreg:$0x1] =	wrdreg $0xFFFFFFFF  }
0xad: {  	s28 =	simm.s32 $_size_execute0_lowered;
	s3 =	sadd.s32 s3, s5;
	[dreg:$0x0] =	wrdreg $0x0  }
0xae: {  	s5 =	sshll.u32 s28, $0x1;
	[dreg:$0x2] =	wrdreg s3  }
0xaf: {  	[dreg:$0x3] =	wrdreg s5  }
0xb0: {  	[dreg:$0x4] =	wrdreg $0xC0  }
0xb1: {  	_ =	task [dreg:s7], $0x5FFFF  }
0xb2: {  	[dreg:$0x1] =	wrdreg $0xFFFFFFFF  }
0xb3: {  	[dreg:$0x0] =	wrdreg $0x60  }
0xb4: {  	[dreg:$0x2] =	wrdreg s16  }
0xb5: {  	[dreg:$0x3] =	wrdreg s24  }
0xb6: {  	[dreg:$0x4] =	wrdreg $0x41800  }
0xb7: {  	[dreg:$0x5] =	wrdreg $0x181800  }
0xb8: {  	[dreg:$0x6] =	wrdreg $0x9  }
0xb9: {  	_ =	task.clear_ibuf [dreg:s7], $0x7FFFF;
	_ =	strace $0x90000046  }
0xba: {  	s29 =	simm.s32 $0x9;
	_ =	strace $0x80000048  }
0xbb: {  	_ =	swait.ge [sflag:s29], $0x1  }
0xbc: {  	[sflag:s29] =	ssyncadd.s32 $0xFFFFFFFF  }
0xbd: {  	_ =	strace $0x90000048  }
0xbe: {  	_ =	sfence  }
0xbf: {  	s30 =	sld [smem:$0x0];
	_ =	sdelay $0x2  }
0xc0: {  	s31 =	sshll.u32 s1, $0xD;
	s1 =	sshrl.u32 s1, $0x2  }
0xc1: {  	s3 =	sand.u32 $0x4000, s31;
	s1 =	sadd.s32 s1, s30  }
0xc2: {  	s0 =	sor.u32 s3, s0;
	s1 =	sshll.u32 s1, $0x11  }
0xc3: {  	s0 =	sor.u32 s1, s0  }
0xc4: {  	s0 =	sadd.s32 $0x8F2B, s0  }
0xc5: {  	[sflag:s0] =	ssyncadd.remote.s32 $0x1  }
0xc6: {  	_ =	sfence.sel $0xFFFF  }
0xc7: {  	[dreg:$0x0] =	wrdreg $0xFFFFFFFF;
	(pc) =	sbr.abs _section_cstart, $3  }
0xc8: {  	[dreg:$0x1] =	wrdreg $0xFFFFFFFF  }
0xc9: {  	_ =	task.clear_ibuf [dreg:s7], $0x2FFFF;
	_ =	strace $0x9FFFFFFF  }
0xca: {  	(tm) =	ssettm $0x7FFFFFFF  }
0xcb: {  	_ =	shalt  }
tec
execute0_lowered:
.L_overlay_start_1:
0x0: {  	(tag) =	ssettag $0x1  }
0x1: {  	s2 =	rddreg [dreg:$0x0]  }
0x2: {  	s6 =	rddreg [dreg:$0x1]  }
0x3: {  	s3 =	rddreg [dreg:$0x2];
	s1 =	stileid.u32  }
0x4: {  	s4 =	rddreg [dreg:$0x3];
	s7 =	smul.u32 $0x9E0, s1  }
0x5: {  	s0 =	rddreg [dreg:$0x4];
	s8 =	smul.u32 $0x14000, s1  }
0x6: {  	s9 =	srdreg.scid;
	s5 =	simm.s32 $0x0;
	s10 =	smul.u32 $0x280, s1  }
0x7: {  	s19 =	simm.s32 $0x1;
	s9 =	sand.u32 $0x1, s9;
	s15 =	smul.u32 $0x50000, s1  }
0x8: {  	s20 =	simm.s32 $0x4100;
	s21 =	simm.s32 $0x0;
	s11 =	smul.u32 $0x140000, s9  }
0x9: {  	[smem:$0x7FF] =	sst s5;
	s29 =	sshll.u32 s1, $0x6;
	s23 =	smul.u32 $0x2800, s9  }
0xa: {  	_ =	strace $0x80000047;
	s14 =	ssub.s32 $0x2, s9;
	s30 =	smul.u32 $0x4F0, s9  }
0xb: {  	s12 =	sadd.s32 s7, s6;
	s22 =	sshrl.u32 s8, $0x3;
	s13 =	sshrl.u32 s10, $0x3  }
0xc: {  	s25 =	sshrl.u32 s14, $0x1;
	s26 =	sshrl.u32 s15, $0x2;
	s18 =	sadd.s32 s10, s4  }
0xd: {  	s15 =	simm.s32 $0x2;
	s8 =	sadd.s32 s8, s11;
	s7 =	sadd.s32 s22, s6  }
0xe: {  	s13 =	sadd.s32 s13, s6;
	s11 =	sadd.s32 s10, s23;
	s28 =	sadd.s32 s26, s3  }
0xf: {  	s31 =	sadd.s32 s30, s12;
	s8 =	sshrl.u32 s8, $0x3;
	s24 =	sshrl.u32 s11, $0x3  }
0x10: {  	s11 =	ssub.s32 s14, s25;
	s12 =	sadd.s32 $0xAE00, s31;
	s14 =	sshrl.u32 s28, $0x3  }
0x11: {  	s16 =	sadd.s32 s8, s6;
	s17 =	sadd.s32 s24, s6;
	s6 =	sadd.s32 $0x15200, s7  }
0x12: {  	s7 =	sor.u32 $0x1C02, s29;
	s8 =	sadd.s32 $0x14C00, s13;
	s11 =	smax.u32 s11, $0x1  }
0x13: {  	s13 =	sadd.s32 $0x1000, s31;
	s9 =	sadd.s32 $0x3DC00, s16;
	s10 =	sadd.s32 $0x3D200, s17  }
0x14: {  	v0 =	vimm.f32 $1.000000000e+00;
	s16 =	sshrl.u32 s18, $0x3;
	s17 =	simm.s32 $0x80;
	s18 =	simm.s32 $0x100  }
.LBB2_1:
0x15: {  	[spmem:s14], [sflag:s7] =	dma.local [hbm:s6], $0x2800  }
0x16: {  	_ =	swait.ge [sflag:s15], $0x2800  }
0x17: {  	[sflag:s15] =	ssyncset.done $0x0  }
0x18: {  	[sflag:s15] =	ssyncadd.s32 $0xFFFFD800  }
0x19: {  	[spmem:s16], [sflag:s7] =	dma.local [hbm:s8], $0x50  }
0x1a: {  	_ =	swait.ge [sflag:s15], $0x50  }
0x1b: {  	[sflag:s15] =	ssyncset.done $0x0  }
0x1c: {  	[sflag:s15] =	ssyncadd.s32 $0xFFFFFFB0  }
0x1d: {  	[tilespmem:$0x4100] =	vst v0  }
0x1e: {  	[tilespmem:$0x4110] =	vst v0  }
0x1f: {  	[tilespmem:$0x4120] =	vst v0  }
0x20: {  	[tilespmem:$0x4130] =	vst v0  }
0x21: {  	[tilespmem:$0x4140] =	vst v0  }
0x22: {  	[tilespmem:$0x4150] =	vst v0  }
0x23: {  	[tilespmem:$0x4160] =	vst v0  }
0x24: {  	[tilespmem:$0x4170] =	vst v0  }
0x25: {  	s22 =	sadd.s32 $0x0, s12;
	[bflag:$0x0] =	sbarrier.arrive $0xFFFF  }
0x26: {  	[tilespmem:s5], [sflag:$0x2] =	stream.linear.gather [hbm4b:s22+s5], $0x80, $0x38;
	[tilespmem:$0x18400] =	vst v63  }
0x27: {  	_ =	swait.ge [sflag:s15], $0x80  }
0x28: {  	[sflag:s15] =	ssyncset.done $0x0  }
0x29: {  	s31 =	sadd.s32 $0x0, s13;
	[sflag:s15] =	ssyncadd.s32 $0xFFFFFF80  }
0x2a: {  	[tilespmem:s17], [sflag:$0x2] =	stream.linear.gather [hbm4b:s31+s5], $0x80, $0x38;
	[tilespmem:$0x18400] =	vst v63  }
0x2b: {  	_ =	swait.ge [sflag:s15], $0x80  }
0x2c: {  	[sflag:s15] =	ssyncset.done $0x0  }
0x2d: {  	[sflag:s15] =	ssyncadd.s32 $0xFFFFFF80  }
0x2e: {  	[tilespmem:s18], [sflag:$0x1] =	stream.indirect.gather [hbm4b:s2+s17], $0x80, s5, s17, $0xb8;
	[tilespmem:$0x18400] =	vst v63  }
0x2f: {  	_ =	swait.ge [sflag:s19], $0x4000  }
0x30: {  	[sflag:s19] =	ssyncset.done $0x0  }
0x31: {  	[sflag:s19] =	ssyncadd.s32 $0xFFFFC000  }
0x32: {  	[spmem:s3] =	stream.indirect.scatter.add.f32 [tilespmem:s18], [sflag:$0x2], $0x80, s17, s17, $0xb8;
	[tilespmem:$0x18400] =	vst v63  }
0x33: {  	_ =	swait.ge [sflag:s15], $0x4000  }
0x34: {  	[sflag:s15] =	ssyncset.done $0x0  }
0x35: {  	[sflag:s15] =	ssyncadd.s32 $0xFFFFC000  }
0x36: {  	[spmem:s4] =	stream.indirect.scatter.add.f32 [tilespmem:s20], [sflag:$0x2], $0x1, s17, s17, $0xb8;
	[tilespmem:$0x18400] =	vst v63  }
0x37: {  	_ =	swait.ge [sflag:s15], $0x80  }
0x38: {  	s23 =	simm.s32 $0x20;
	s22 =	simm.s32 $0x10;
	[sflag:s15] =	ssyncset.done $0x0  }
.LBB2_2:
0x39: {  	s24 =	sadd.s32 s22, s12  }
0x3a: {  	[sflag:s15] =	ssyncadd.s32 $0xFFFFFF80;
	s25 =	smov.u32 s23;
	s26 =	sadd.s32 $0x10, s23  }
0x3b: {  	[tilespmem:s5], [sflag:$0x2] =	stream.linear.gather [hbm4b:s24+s5], $0x80, $0x38;
	[tilespmem:$0x18400] =	vst v63  }
0x3c: {  	p0 =	sne.s32 s23, $0x4E0;
	_ =	swait.ge [sflag:s15], $0x80  }
0x3d: {  	[sflag:s15] =	ssyncset.done $0x0  }
0x3e: {  	s23 =	sadd.s32 s22, s13;
	s22 =	smov.u32 s25;
	[sflag:s15] =	ssyncadd.s32 $0xFFFFFF80  }
0x3f: {  	[tilespmem:s17], [sflag:$0x2] =	stream.linear.gather [hbm4b:s23+s5], $0x80, $0x38;
	[tilespmem:$0x18400] =	vst v63  }
0x40: {  	_ =	swait.ge [sflag:s15], $0x80  }
0x41: {  	[sflag:s15] =	ssyncset.done $0x0  }
0x42: {  	[sflag:s15] =	ssyncadd.s32 $0xFFFFFF80  }
0x43: {  	[tilespmem:s18], [sflag:$0x1] =	stream.indirect.gather [hbm4b:s2+s17], $0x80, s5, s17, $0xb8;
	[tilespmem:$0x18400] =	vst v63  }
0x44: {  	_ =	swait.ge [sflag:s19], $0x4000  }
0x45: {  	[sflag:s19] =	ssyncset.done $0x0  }
0x46: {  	[sflag:s19] =	ssyncadd.s32 $0xFFFFC000  }
0x47: {  	[spmem:s3] =	stream.indirect.scatter.add.f32 [tilespmem:s18], [sflag:$0x2], $0x80, s17, s17, $0xb8;
	[tilespmem:$0x18400] =	vst v63  }
0x48: {  	_ =	swait.ge [sflag:s15], $0x4000  }
.Ltmp0:
0x49: {  	[sflag:s15] =	ssyncset.done $0x0;
	(pc) =	sbr.rel @p0 .LBB2_2-.Ltmp0, $4  }
0x4a: {  	[sflag:s15] =	ssyncadd.s32 $0xFFFFC000  }
0x4b: {  	[spmem:s4] =	stream.indirect.scatter.add.f32 [tilespmem:s20], [sflag:$0x2], $0x1, s17, s17, $0xb8;
	[tilespmem:$0x18400] =	vst v63  }
0x4c: {  	_ =	swait.ge [sflag:s15], $0x80  }
0x4d: {  	s23 =	smov.u32 s26;
	[sflag:s15] =	ssyncset.done $0x0  }
0x4e: {  	s23 =	sadd.s32 s22, s12;
	[sflag:s15] =	ssyncadd.s32 $0xFFFFFF80  }
0x4f: {  	[tilespmem:s5], [sflag:$0x2] =	stream.linear.gather [hbm4b:s23+s5], $0x80, $0x38;
	[tilespmem:$0x18400] =	vst v63  }
0x50: {  	_ =	swait.ge [sflag:s15], $0x80  }
0x51: {  	[sflag:s15] =	ssyncset.done $0x0  }
0x52: {  	s31 =	sadd.s32 s22, s13;
	[sflag:s15] =	ssyncadd.s32 $0xFFFFFF80  }
0x53: {  	[tilespmem:s17], [sflag:$0x2] =	stream.linear.gather [hbm4b:s31+s5], $0x80, $0x38;
	[tilespmem:$0x18400] =	vst v63  }
0x54: {  	_ =	swait.ge [sflag:s15], $0x80  }
0x55: {  	[sflag:s15] =	ssyncset.done $0x0  }
0x56: {  	[sflag:s15] =	ssyncadd.s32 $0xFFFFFF80  }
0x57: {  	[tilespmem:s18], [sflag:$0x1] =	stream.indirect.gather [hbm4b:s2+s17], $0x80, s5, s17, $0xb8;
	[tilespmem:$0x18400] =	vst v63  }
0x58: {  	_ =	swait.ge [sflag:s19], $0x4000  }
0x59: {  	[sflag:s19] =	ssyncset.done $0x0  }
0x5a: {  	[sflag:s19] =	ssyncadd.s32 $0xFFFFC000  }
0x5b: {  	[spmem:s3] =	stream.indirect.scatter.add.f32 [tilespmem:s18], [sflag:$0x2], $0x80, s17, s17, $0xb8;
	[tilespmem:$0x18400] =	vst v63  }
0x5c: {  	_ =	swait.ge [sflag:s15], $0x4000  }
0x5d: {  	[sflag:s15] =	ssyncset.done $0x0  }
0x5e: {  	[sflag:s15] =	ssyncadd.s32 $0xFFFFC000  }
0x5f: {  	[spmem:s4] =	stream.indirect.scatter.add.f32 [tilespmem:s20], [sflag:$0x2], $0x1, s17, s17, $0xb8;
	[tilespmem:$0x18400] =	vst v63  }
0x60: {  	_ =	swait.ge [sflag:s15], $0x80  }
0x61: {  	[sflag:s15] =	ssyncset.done $0x0  }
0x62: {  	[sflag:s15] =	ssyncadd.s32 $0xFFFFFF80  }
0x63: {  	[bflag:$0x0] =	sbarrier.arrive $0xFFFF  }
0x64: {  	[hbm:s9], [sflag:s7] =	dma.local [spmem:s14], $0x2800  }
0x65: {  	s21 =	sadd.s32 $0x1, s21;
	_ =	swait.ge [sflag:s15], $0x2800  }
0x66: {  	p0 =	sne.s32 s21, s11;
	[sflag:s15] =	ssyncset.done $0x0  }
.Ltmp1:
0x67: {  	[sflag:s15] =	ssyncadd.s32 $0xFFFFD800;
	(pc) =	sbr.rel @p0 .LBB2_1-.Ltmp1, $4  }
0x68: {  	[hbm:s10], [sflag:s7] =	dma.local [spmem:s16], $0x50  }
0x69: {  	_ =	swait.ge [sflag:s15], $0x50  }
0x6a: {  	[sflag:s15] =	ssyncset.done $0x0  }
0x6b: {  	[sflag:s15] =	ssyncadd.s32 $0xFFFFFFB0  }
0x6c: {  	_ =	sfence.sel $0x180000  }
0x6d: {  	[bflag:$0x0] =	sbarrier.arrive $0xFFFF  }
0x6e: {  	p0 =	sne.s32 s1, $0x0;
	_ =	strace $0x90000047  }
0x6f: {  	s0 =	sadd.s32 @!p0 $0x100000, s0;
	[bflag:$0x2] =	sbarrier.arrive $0xFFFF  }
0x70: {  	[sflag:s0] =	ssyncadd.tile.s32 @!p0 $0x1;
	_ =	shalt  }
.Lfunc_end2:
_tile_overlayer_lowered:
.L_overlay_start_2:
0x71: {  	(tag) =	ssettag $0x2  }
0x72: {  	s0 =	rddreg [dreg:$0x0];
	s2 =	stileid.u32  }
0x73: {  	s1 =	rddreg [dreg:$0x1];
	p0 =	sne.s32 s2, $0x0  }
0x74: {  	s3 =	rddreg [dreg:$0x2];
	[bflag:$0x3] =	sbarrier.arrive $0xFFFF;
	s2 =	simm.s32 @!p0 $0x1C02  }
0x75: {  	[timem:s3], [sflag:s2] =	dma.local @!p0 [hbm:s0], s1  }
0x76: {  	s0 =	simm.s32 @!p0 $0x2  }
0x77: {  	_ =	swait.ge @!p0 [sflag:s0], s1  }
0x78: {  	s1 =	ssub.s32 @!p0 $0x0, s1;
	[sflag:s0] =	ssyncset.done @!p0 $0x0  }
0x79: {  	[sflag:s0] =	ssyncadd.s32 @!p0 s1  }
0x7a: {  	[bflag:$0x3] =	sbarrier.arrive $0xFFFF  }
0x7b: {  	_ =	shalt  }

</sc_bundles>
